<compile_context>
chip_gen: v7x
topology: tpu7x:2x2x1
jax: 0.10.2.dev20260603
libtpu: 0.0.44.dev20260713+nightly
codegen_flags: <defaults>
</compile_context>

<pallas_src>
import functools

import jax
import jax.numpy as jnp
from jax import lax
from jax.experimental import pallas as pl
from jax.experimental.pallas import tpu as pltpu
from jax.experimental.pallas import tpu_sc as plsc

K = 8192
D = 256
N = 8192
BETA = 0.25

BM = 1024
NBLK = N // BM


def _half_argmin(dist, base):
    rowmin = jnp.min(dist, axis=1, keepdims=True)
    cols = lax.broadcasted_iota(jnp.int32, dist.shape, 1) + base
    idx = jnp.min(jnp.where(dist == rowmin, cols, K), axis=1)
    return rowmin[:, 0], idx


def _argmin_body(x_ref, w_ref, xsq_ref, wsq_ref, inds_ref, minval_ref):
    x = x_ref[...]
    w = w_ref[...]
    mm = lax.dot_general(x, w, (((1,), (1,)), ((), ())),
                         preferred_element_type=jnp.float32)
    t1 = xsq_ref[0] + wsq_ref[...]
    dist = t1 - 2.0 * mm
    m1, i1 = _half_argmin(dist[:, : K // 2], 0)
    m2, i2 = _half_argmin(dist[:, K // 2 :], K // 2)
    carry = m1.astype(jnp.bfloat16).astype(jnp.float32)
    win2 = m2 < carry
    inds_ref[0, 0, :] = jnp.where(win2, i2, i1)
    minval_ref[0, 0, :] = jnp.where(win2, m2, m1)


def _argmin_call(flat, w, xsq3, wsq2):
    return pl.pallas_call(
        _argmin_body,
        grid=(NBLK,),
        in_specs=[
            pl.BlockSpec((BM, D), lambda i: (i, 0)),
            pl.BlockSpec((K, D), lambda i: (0, 0)),
            pl.BlockSpec((1, BM, 1), lambda i: (i, 0, 0)),
            pl.BlockSpec((1, K), lambda i: (0, 0)),
        ],
        out_specs=[
            pl.BlockSpec((1, 1, BM), lambda i: (i, 0, 0)),
            pl.BlockSpec((1, 1, BM), lambda i: (i, 0, 0)),
        ],
        out_shape=[
            jax.ShapeDtypeStruct((NBLK, 1, BM), jnp.int32),
            jax.ShapeDtypeStruct((NBLK, 1, BM), jnp.float32),
        ],
    )(flat, w, xsq3, wsq2)


_NC, _NS = 2, 16
_NW = _NC * _NS
_RPW = N // _NW
_CHUNK = 128
_NCHUNK = _RPW // _CHUNK


def _sc_gather_hist(w_hbm, idx_hbm, out_hbm, cnt_hbm, idx_v, rows_v, cnt_v, sem):
    wid = lax.axis_index("s") * _NC + lax.axis_index("c")
    base = wid * _RPW
    pltpu.sync_copy(idx_hbm.at[pl.ds(_NCHUNK * wid, _NCHUNK)], idx_v)

    def _zero(i, _):
        cnt_v[pl.ds(i * 16, 16)] = jnp.zeros((16,), jnp.float32)
        return _
    lax.fori_loop(0, K // 16, _zero, 0)

    ones = jnp.ones((16,), jnp.float32)
    for c in range(_NCHUNK):
        pltpu.async_copy(w_hbm.at[idx_v.at[c]], rows_v, sem).wait()
        pltpu.sync_copy(rows_v, out_hbm.at[pl.ds(base + c * _CHUNK, _CHUNK)])

        def _hist(j, _):
            vec = idx_v[c, pl.ds(j * 16, 16)]
            plsc.addupdate_scatter(cnt_v, [vec], ones)
            return _
        lax.fori_loop(0, _CHUNK // 16, _hist, 0)

    pltpu.sync_copy(cnt_v, cnt_hbm.at[wid])


def _sc_call(w, idx2):
    f = pl.kernel(
        _sc_gather_hist,
        mesh=plsc.VectorSubcoreMesh(core_axis_name="c", subcore_axis_name="s"),
        out_type=[
            jax.ShapeDtypeStruct((N, D), jnp.float32),
            jax.ShapeDtypeStruct((_NW, K), jnp.float32),
        ],
        scratch_types=[
            pltpu.VMEM((_NCHUNK, _CHUNK), jnp.int32),
            pltpu.VMEM((_CHUNK, D), jnp.float32),
            pltpu.VMEM((K,), jnp.float32),
            pltpu.SemaphoreType.DMA,
        ],
        compiler_params=pltpu.CompilerParams(needs_layout_passes=False),
    )
    return f(w, idx2)


def _scalars_body(minval_ref, cnt_ref, loss_ref, perp_ref):
    sse = jnp.sum(minval_ref[...])
    loss_ref[...] = (sse * (1.25 / (N * D))).reshape(1, 1)
    counts = jnp.sum(cnt_ref[...], axis=0)
    p = counts * (1.0 / N)
    ent = jnp.sum(p * jnp.log(p + 1e-10))
    perp_ref[...] = jnp.exp(-ent).reshape(1, 1)


def _scalars_call(minval2, cnt):
    return pl.pallas_call(
        _scalars_body,
        in_specs=[
            pl.BlockSpec((N // 128, 128), lambda: (0, 0)),
            pl.BlockSpec((_NW, K), lambda: (0, 0)),
        ],
        out_specs=[
            pl.BlockSpec((1, 1), lambda: (0, 0)),
            pl.BlockSpec((1, 1), lambda: (0, 0)),
        ],
        out_shape=[
            jax.ShapeDtypeStruct((1, 1), jnp.float32),
            jax.ShapeDtypeStruct((1, 1), jnp.float32),
        ],
    )(minval2, cnt)


def kernel(latents, embedding_weight):
    flat = latents.reshape(-1, D)
    xsq = jnp.sum(flat ** 2, axis=1)
    wsq = jnp.sum(embedding_weight ** 2, axis=1)

    inds3, minval3 = _argmin_call(
        flat.astype(jnp.bfloat16), embedding_weight.astype(jnp.bfloat16),
        xsq.reshape(NBLK, BM, 1), wsq.reshape(1, K))

    quant_flat, cnt = _sc_call(
        embedding_weight, inds3.reshape(N // _CHUNK, _CHUNK))

    vq_loss, perp = _scalars_call(minval3.reshape(N // 128, 128), cnt)

    return (quant_flat.reshape(latents.shape), vq_loss[0, 0], perp[0, 0])

# --- scband reference (transcript-rebuilt; emitter-appended) ---
"""Pipeline reference for scband-vector-quantizer-1580547972681 (READ-ONLY COPY).

The authoritative reference and input builder live on the scoring server;
editing this copy changes nothing except your own understanding.
"""

import jax, jax.numpy as jnp
import numpy as np

K = 8192
D = 256
BETA = 0.25

def setup_inputs(seed: int = 0) -> dict:
    key = jax.random.key(seed)
    k1, k2 = jax.random.split(key)
    latents = jax.random.normal(k1, (8, 1024, D), dtype=jnp.float32)
    embedding_weight = jax.random.uniform(k2, (K, D), minval=-1.0 / K, maxval=1.0 / K, dtype=jnp.float32)
    return {"latents": latents, "embedding_weight": embedding_weight}

def reference(latents, embedding_weight):
    flat_latents = latents.reshape(-1, D)
    dist = (jnp.sum(flat_latents ** 2, axis=1, keepdims=True)
            + jnp.sum(embedding_weight ** 2, axis=1)
            - 2.0 * jnp.matmul(flat_latents, embedding_weight.T))
    encoding_inds = jnp.argmin(dist, axis=1)
    encoding_one_hot = jax.nn.one_hot(encoding_inds, K, dtype=jnp.float32)
    quantized_latents = jnp.matmul(encoding_one_hot, embedding_weight).reshape(latents.shape)
    commitment_loss = jnp.mean((jax.lax.stop_gradient(quantized_latents) - latents) ** 2)
    embedding_loss = jnp.mean((quantized_latents - jax.lax.stop_gradient(latents)) ** 2)
    vq_loss = commitment_loss * BETA + embedding_loss
    quantized_st = latents + jax.lax.stop_gradient(quantized_latents - latents)
    avg_probs = jnp.mean(encoding_one_hot, axis=0)
    perplexity = jnp.exp(-jnp.sum(avg_probs * jnp.log(avg_probs + 1e-10)))
    return (quantized_st, vq_loss, perplexity)

if __name__ == "__main__":
    import jax
    _d = setup_inputs()
    print(jax.jit(kernel)(*tuple(_d.values())))

</pallas_src>

<mosaic_0001>
#map = affine_map<(d0, d1) -> (0, 0)>
module attributes {stable_mosaic.version = 14 : i64} {
  func.func @_sc_gather_hist(%arg0: i32, %arg1: i32, %arg2: memref<8192x256xf32, #tpu.memory_space<hbm>>, %arg3: memref<64x128xi32, #tpu.memory_space<hbm>>, %arg4: memref<8192x256xf32, #tpu.memory_space<hbm>>, %arg5: memref<32x8192xf32, #tpu.memory_space<hbm>>, %arg6: memref<2x128xi32, #tpu.memory_space<vmem>>, %arg7: memref<128x256xf32, #tpu.memory_space<vmem>>, %arg8: memref<8192xf32, #tpu.memory_space<vmem>>, %arg9: memref<!tpu.dma_semaphore, #tpu.memory_space<semaphore_mem>>) attributes {dimension_semantics = [#tpu.dimension_semantics<core_parallel>, #tpu.dimension_semantics<subcore_parallel>], iteration_bounds = array<i64: 2, 16>, scalar_prefetch = 0 : i64, scratch_operands = 4 : i64, tpu.core_type = #tpu.core_type<sc_vector_subcore>, window_params = [{transform_indices = #map}, {transform_indices = #map}, {transform_indices = #map}, {transform_indices = #map}]} {
    %mul3A = arith.constant 2 : i32
    %mul3A_0 = arith.muli %arg1, %mul3A : i32
    %add3A = arith.addi %mul3A_0, %arg0 : i32
    %mul3A_1 = arith.constant 256 : i32
    %mul3A_2 = arith.muli %add3A, %mul3A_1 : i32
    %mul3A_3 = arith.constant 2 : i32
    %mul3A_4 = arith.muli %mul3A_3, %add3A : i32
    "tpu.region"() ({
      %run_scoped3A = tpu.sem_alloc : memref<!tpu.dma_semaphore, #tpu.memory_space<semaphore_mem>>
      %dma_start3A_53 = arith.constant 0 : i32
      %dma_start3A_54 = tpu.memref_slice %arg3[%mul3A_4, %dma_start3A_53] : memref<64x128xi32, #tpu.memory_space<hbm>> -> memref<2x128xi32, #tpu.memory_space<hbm>>
      %dma_start3A_55 = arith.constant 0 : i32
      %dma_start3A_56 = tpu.memref_slice %arg3[%mul3A_4, %dma_start3A_55] : memref<64x128xi32, #tpu.memory_space<hbm>> -> memref<2x128xi32, #tpu.memory_space<hbm>>
      tpu.enqueue_dma source(%dma_start3A_56 : memref<2x128xi32, #tpu.memory_space<hbm>>) target(%arg6 : memref<2x128xi32, #tpu.memory_space<vmem>>) target_semaphore(%run_scoped3A : memref<!tpu.dma_semaphore, #tpu.memory_space<semaphore_mem>>)
      %dma_wait3A_57 = arith.constant 0 : i32
      %dma_wait3A_58 = tpu.memref_slice %arg3[%mul3A_4, %dma_wait3A_57] : memref<64x128xi32, #tpu.memory_space<hbm>> -> memref<2x128xi32, #tpu.memory_space<hbm>>
      %dma_wait3A_59 = arith.constant 0 : i32
      %dma_wait3A_60 = tpu.memref_slice %arg3[%mul3A_4, %dma_wait3A_59] : memref<64x128xi32, #tpu.memory_space<hbm>> -> memref<2x128xi32, #tpu.memory_space<hbm>>
      tpu.wait_dma2 semaphore(%run_scoped3A : memref<!tpu.dma_semaphore, #tpu.memory_space<semaphore_mem>>) src(%dma_wait3A_60 : memref<2x128xi32, #tpu.memory_space<hbm>>) dst(%arg6 : memref<2x128xi32, #tpu.memory_space<vmem>>)
      tpu.yield
    }) : () -> ()
    %scan3A = arith.constant 0 : i32
    %scan3A_5 = arith.constant 0 : i32
    %scan3A_6 = arith.constant 512 : i32
    %scan3A_7 = arith.addi %scan3A_5, %scan3A_6 : i32
    %scan3A_8 = arith.constant 1 : i32
    scf.for %scan3A_53 = %scan3A_5 to %scan3A_7 step %scan3A_8  : i32 {
      %broadcast_in_dim3A_54 = arith.constant 0.000000e+00 : f32
      %broadcast_in_dim3A_55 = vector.broadcast %broadcast_in_dim3A_54 : f32 to vector<16xf32>
      %mul3A_56 = arith.constant 16 : i32
      %mul3A_57 = arith.muli %scan3A_53, %mul3A_56 : i32
      %swap3A = arith.index_cast %mul3A_57 : i32 to index
      %swap3A_58 = tpu.vector_load %arg8[%swap3A] {strides = array<i32>} : memref<8192xf32, #tpu.memory_space<vmem>>, vector<16xf32>,
      tpu.vector_store %arg8[%swap3A], %broadcast_in_dim3A_55 {strides = array<i32>} : memref<8192xf32, #tpu.memory_space<vmem>>, vector<16xf32>,
    }
    %scan3A_9 = arith.constant 512 : i32
    %broadcast_in_dim3A = arith.constant 1.000000e+00 : f32
    %broadcast_in_dim3A_10 = vector.broadcast %broadcast_in_dim3A : f32 to vector<16xf32>
    %dma_start3A = arith.constant 0 : i32
    %dma_start3A_11 = arith.constant 0 : i32
    %dma_start3A_12 = tpu.memref_slice %arg6[%dma_start3A, %dma_start3A_11] : memref<2x128xi32, #tpu.memory_space<vmem>> -> memref<1x128xi32, #tpu.memory_space<vmem>>
    %dma_start3A_13 = tpu.memref_squeeze %dma_start3A_12 : memref<1x128xi32, #tpu.memory_space<vmem>> -> memref<128xi32, #tpu.memory_space<vmem>>
    %dma_start3A_14 = arith.constant 0 : i32
    %dma_start3A_15 = arith.constant 0 : i32
    %dma_start3A_16 = tpu.memref_slice %arg2[%dma_start3A_14, %dma_start3A_15] : memref<8192x256xf32, #tpu.memory_space<hbm>> -> memref<8192x256xf32, #tpu.memory_space<hbm>>
    tpu.enqueue_indirect_dma source(%dma_start3A_16 : memref<8192x256xf32, #tpu.memory_space<hbm>>) target(%arg7 : memref<128x256xf32, #tpu.memory_space<vmem>>) offsets(%dma_start3A_13 : memref<128xi32, #tpu.memory_space<vmem>>) semaphore(%arg9 : memref<!tpu.dma_semaphore, #tpu.memory_space<semaphore_mem>>)
    %dma_wait3A = arith.constant 0 : i32
    %dma_wait3A_17 = arith.constant 0 : i32
    %dma_wait3A_18 = tpu.memref_slice %arg6[%dma_wait3A, %dma_wait3A_17] : memref<2x128xi32, #tpu.memory_space<vmem>> -> memref<1x128xi32, #tpu.memory_space<vmem>>
    %dma_wait3A_19 = tpu.memref_squeeze %dma_wait3A_18 : memref<1x128xi32, #tpu.memory_space<vmem>> -> memref<128xi32, #tpu.memory_space<vmem>>
    %dma_wait3A_20 = arith.constant 0 : i32
    %dma_wait3A_21 = arith.constant 0 : i32
    %dma_wait3A_22 = tpu.memref_slice %arg2[%dma_wait3A_20, %dma_wait3A_21] : memref<8192x256xf32, #tpu.memory_space<hbm>> -> memref<8192x256xf32, #tpu.memory_space<hbm>>
    tpu.wait_indirect_dma semaphore(%arg9 : memref<!tpu.dma_semaphore, #tpu.memory_space<semaphore_mem>>) src(%dma_wait3A_22 : memref<8192x256xf32, #tpu.memory_space<hbm>>) dst(%arg7 : memref<128x256xf32, #tpu.memory_space<vmem>>)
    %add3A_23 = arith.constant 0 : i32
    %add3A_24 = arith.addi %mul3A_2, %add3A_23 : i32
    "tpu.region"() ({
      %run_scoped3A = tpu.sem_alloc : memref<!tpu.dma_semaphore, #tpu.memory_space<semaphore_mem>>
      %dma_start3A_53 = arith.constant 0 : i32
      %dma_start3A_54 = tpu.memref_slice %arg4[%add3A_24, %dma_start3A_53] : memref<8192x256xf32, #tpu.memory_space<hbm>> -> memref<128x256xf32, #tpu.memory_space<hbm>>
      %dma_start3A_55 = arith.constant 0 : i32
      %dma_start3A_56 = tpu.memref_slice %arg4[%add3A_24, %dma_start3A_55] : memref<8192x256xf32, #tpu.memory_space<hbm>> -> memref<128x256xf32, #tpu.memory_space<hbm>>
      tpu.enqueue_dma source(%arg7 : memref<128x256xf32, #tpu.memory_space<vmem>>) target(%dma_start3A_56 : memref<128x256xf32, #tpu.memory_space<hbm>>) target_semaphore(%run_scoped3A : memref<!tpu.dma_semaphore, #tpu.memory_space<semaphore_mem>>)
      %dma_wait3A_57 = arith.constant 0 : i32
      %dma_wait3A_58 = tpu.memref_slice %arg4[%add3A_24, %dma_wait3A_57] : memref<8192x256xf32, #tpu.memory_space<hbm>> -> memref<128x256xf32, #tpu.memory_space<hbm>>
      %dma_wait3A_59 = arith.constant 0 : i32
      %dma_wait3A_60 = tpu.memref_slice %arg4[%add3A_24, %dma_wait3A_59] : memref<8192x256xf32, #tpu.memory_space<hbm>> -> memref<128x256xf32, #tpu.memory_space<hbm>>
      tpu.wait_dma2 semaphore(%run_scoped3A : memref<!tpu.dma_semaphore, #tpu.memory_space<semaphore_mem>>) src(%arg7 : memref<128x256xf32, #tpu.memory_space<vmem>>) dst(%dma_wait3A_60 : memref<128x256xf32, #tpu.memory_space<hbm>>)
      tpu.yield
    }) : () -> ()
    %scan3A_25 = arith.constant 0 : i32
    %scan3A_26 = arith.constant 0 : i32
    %scan3A_27 = arith.constant 8 : i32
    %scan3A_28 = arith.addi %scan3A_26, %scan3A_27 : i32
    %scan3A_29 = arith.constant 1 : i32
    scf.for %scan3A_53 = %scan3A_26 to %scan3A_28 step %scan3A_29  : i32 {
      %mul3A_54 = arith.constant 16 : i32
      %mul3A_55 = arith.muli %scan3A_53, %mul3A_54 : i32
      %get3A = arith.constant 0 : i32
      %get3A_56 = arith.index_cast %get3A : i32 to index
      %get3A_57 = arith.index_cast %mul3A_55 : i32 to index
      %get3A_58 = tpu.vector_load %arg6[%get3A_56, %get3A_57] {strides = array<i32>} : memref<2x128xi32, #tpu.memory_space<vmem>>, vector<16xi32>,
      tpu.vector_store_idx %arg8[%get3A_58], %broadcast_in_dim3A_10 {add = true} : memref<8192xf32, #tpu.memory_space<vmem>>[vector<16xi32>], vector<16xf32>,
    }
    %scan3A_30 = arith.constant 8 : i32
    %dma_start3A_31 = arith.constant 1 : i32
    %dma_start3A_32 = arith.constant 0 : i32
    %dma_start3A_33 = tpu.memref_slice %arg6[%dma_start3A_31, %dma_start3A_32] : memref<2x128xi32, #tpu.memory_space<vmem>> -> memref<1x128xi32, #tpu.memory_space<vmem>>
    %dma_start3A_34 = tpu.memref_squeeze %dma_start3A_33 : memref<1x128xi32, #tpu.memory_space<vmem>> -> memref<128xi32, #tpu.memory_space<vmem>>
    %dma_start3A_35 = arith.constant 0 : i32
    %dma_start3A_36 = arith.constant 0 : i32
    %dma_start3A_37 = tpu.memref_slice %arg2[%dma_start3A_35, %dma_start3A_36] : memref<8192x256xf32, #tpu.memory_space<hbm>> -> memref<8192x256xf32, #tpu.memory_space<hbm>>
    tpu.enqueue_indirect_dma source(%dma_start3A_37 : memref<8192x256xf32, #tpu.memory_space<hbm>>) target(%arg7 : memref<128x256xf32, #tpu.memory_space<vmem>>) offsets(%dma_start3A_34 : memref<128xi32, #tpu.memory_space<vmem>>) semaphore(%arg9 : memref<!tpu.dma_semaphore, #tpu.memory_space<semaphore_mem>>)
    %dma_wait3A_38 = arith.constant 1 : i32
    %dma_wait3A_39 = arith.constant 0 : i32
    %dma_wait3A_40 = tpu.memref_slice %arg6[%dma_wait3A_38, %dma_wait3A_39] : memref<2x128xi32, #tpu.memory_space<vmem>> -> memref<1x128xi32, #tpu.memory_space<vmem>>
    %dma_wait3A_41 = tpu.memref_squeeze %dma_wait3A_40 : memref<1x128xi32, #tpu.memory_space<vmem>> -> memref<128xi32, #tpu.memory_space<vmem>>
    %dma_wait3A_42 = arith.constant 0 : i32
    %dma_wait3A_43 = arith.constant 0 : i32
    %dma_wait3A_44 = tpu.memref_slice %arg2[%dma_wait3A_42, %dma_wait3A_43] : memref<8192x256xf32, #tpu.memory_space<hbm>> -> memref<8192x256xf32, #tpu.memory_space<hbm>>
    tpu.wait_indirect_dma semaphore(%arg9 : memref<!tpu.dma_semaphore, #tpu.memory_space<semaphore_mem>>) src(%dma_wait3A_44 : memref<8192x256xf32, #tpu.memory_space<hbm>>) dst(%arg7 : memref<128x256xf32, #tpu.memory_space<vmem>>)
    %add3A_45 = arith.constant 128 : i32
    %add3A_46 = arith.addi %mul3A_2, %add3A_45 : i32
    "tpu.region"() ({
      %run_scoped3A = tpu.sem_alloc : memref<!tpu.dma_semaphore, #tpu.memory_space<semaphore_mem>>
      %dma_start3A_53 = arith.constant 0 : i32
      %dma_start3A_54 = tpu.memref_slice %arg4[%add3A_46, %dma_start3A_53] : memref<8192x256xf32, #tpu.memory_space<hbm>> -> memref<128x256xf32, #tpu.memory_space<hbm>>
      %dma_start3A_55 = arith.constant 0 : i32
      %dma_start3A_56 = tpu.memref_slice %arg4[%add3A_46, %dma_start3A_55] : memref<8192x256xf32, #tpu.memory_space<hbm>> -> memref<128x256xf32, #tpu.memory_space<hbm>>
      tpu.enqueue_dma source(%arg7 : memref<128x256xf32, #tpu.memory_space<vmem>>) target(%dma_start3A_56 : memref<128x256xf32, #tpu.memory_space<hbm>>) target_semaphore(%run_scoped3A : memref<!tpu.dma_semaphore, #tpu.memory_space<semaphore_mem>>)
      %dma_wait3A_57 = arith.constant 0 : i32
      %dma_wait3A_58 = tpu.memref_slice %arg4[%add3A_46, %dma_wait3A_57] : memref<8192x256xf32, #tpu.memory_space<hbm>> -> memref<128x256xf32, #tpu.memory_space<hbm>>
      %dma_wait3A_59 = arith.constant 0 : i32
      %dma_wait3A_60 = tpu.memref_slice %arg4[%add3A_46, %dma_wait3A_59] : memref<8192x256xf32, #tpu.memory_space<hbm>> -> memref<128x256xf32, #tpu.memory_space<hbm>>
      tpu.wait_dma2 semaphore(%run_scoped3A : memref<!tpu.dma_semaphore, #tpu.memory_space<semaphore_mem>>) src(%arg7 : memref<128x256xf32, #tpu.memory_space<vmem>>) dst(%dma_wait3A_60 : memref<128x256xf32, #tpu.memory_space<hbm>>)
      tpu.yield
    }) : () -> ()
    %scan3A_47 = arith.constant 0 : i32
    %scan3A_48 = arith.constant 0 : i32
    %scan3A_49 = arith.constant 8 : i32
    %scan3A_50 = arith.addi %scan3A_48, %scan3A_49 : i32
    %scan3A_51 = arith.constant 1 : i32
    scf.for %scan3A_53 = %scan3A_48 to %scan3A_50 step %scan3A_51  : i32 {
      %mul3A_54 = arith.constant 16 : i32
      %mul3A_55 = arith.muli %scan3A_53, %mul3A_54 : i32
      %get3A = arith.constant 1 : i32
      %get3A_56 = arith.index_cast %get3A : i32 to index
      %get3A_57 = arith.index_cast %mul3A_55 : i32 to index
      %get3A_58 = tpu.vector_load %arg6[%get3A_56, %get3A_57] {strides = array<i32>} : memref<2x128xi32, #tpu.memory_space<vmem>>, vector<16xi32>,
      tpu.vector_store_idx %arg8[%get3A_58], %broadcast_in_dim3A_10 {add = true} : memref<8192xf32, #tpu.memory_space<vmem>>[vector<16xi32>], vector<16xf32>,
    }
    %scan3A_52 = arith.constant 8 : i32
    "tpu.region"() ({
      %run_scoped3A = tpu.sem_alloc : memref<!tpu.dma_semaphore, #tpu.memory_space<semaphore_mem>>
      %dma_start3A_53 = arith.constant 0 : i32
      %dma_start3A_54 = tpu.memref_slice %arg5[%add3A, %dma_start3A_53] : memref<32x8192xf32, #tpu.memory_space<hbm>> -> memref<1x8192xf32, #tpu.memory_space<hbm>>
      %dma_start3A_55 = tpu.memref_squeeze %dma_start3A_54 : memref<1x8192xf32, #tpu.memory_space<hbm>> -> memref<8192xf32, #tpu.memory_space<hbm>>
      %dma_start3A_56 = arith.constant 0 : i32
      %dma_start3A_57 = tpu.memref_slice %arg5[%add3A, %dma_start3A_56] : memref<32x8192xf32, #tpu.memory_space<hbm>> -> memref<1x8192xf32, #tpu.memory_space<hbm>>
      %dma_start3A_58 = tpu.memref_squeeze %dma_start3A_57 : memref<1x8192xf32, #tpu.memory_space<hbm>> -> memref<8192xf32, #tpu.memory_space<hbm>>
      tpu.enqueue_dma source(%arg8 : memref<8192xf32, #tpu.memory_space<vmem>>) target(%dma_start3A_58 : memref<8192xf32, #tpu.memory_space<hbm>>) target_semaphore(%run_scoped3A : memref<!tpu.dma_semaphore, #tpu.memory_space<semaphore_mem>>)
      %dma_wait3A_59 = arith.constant 0 : i32
      %dma_wait3A_60 = tpu.memref_slice %arg5[%add3A, %dma_wait3A_59] : memref<32x8192xf32, #tpu.memory_space<hbm>> -> memref<1x8192xf32, #tpu.memory_space<hbm>>
      %dma_wait3A_61 = tpu.memref_squeeze %dma_wait3A_60 : memref<1x8192xf32, #tpu.memory_space<hbm>> -> memref<8192xf32, #tpu.memory_space<hbm>>
      %dma_wait3A_62 = arith.constant 0 : i32
      %dma_wait3A_63 = tpu.memref_slice %arg5[%add3A, %dma_wait3A_62] : memref<32x8192xf32, #tpu.memory_space<hbm>> -> memref<1x8192xf32, #tpu.memory_space<hbm>>
      %dma_wait3A_64 = tpu.memref_squeeze %dma_wait3A_63 : memref<1x8192xf32, #tpu.memory_space<hbm>> -> memref<8192xf32, #tpu.memory_space<hbm>>
      tpu.wait_dma2 semaphore(%run_scoped3A : memref<!tpu.dma_semaphore, #tpu.memory_space<semaphore_mem>>) src(%arg8 : memref<8192xf32, #tpu.memory_space<vmem>>) dst(%dma_wait3A_64 : memref<8192xf32, #tpu.memory_space<hbm>>)
      tpu.yield
    }) : () -> ()
    return
  }
}

module attributes {stable_mosaic.version = 14 : i64} {
  func.func @_argmin_body(%arg0: i32, %arg1: memref<1024x256xbf16, #tpu.memory_space<vmem>>, %arg2: memref<8192x256xbf16, #tpu.memory_space<vmem>>, %arg3: memref<1x1024x1xf32, #tpu.memory_space<vmem>>, %arg4: memref<1x8192xf32, #tpu.memory_space<vmem>>, %arg5: memref<1x1x1024xi32, #tpu.memory_space<vmem>>, %arg6: memref<1x1x1024xf32, #tpu.memory_space<vmem>>) attributes {dimension_semantics = [#tpu.dimension_semantics<arbitrary>], iteration_bounds = array<i64: 8>, scalar_prefetch = 0 : i64, scratch_operands = 0 : i64, tpu.core_type = #tpu.core_type<tc>, window_params = [{transform_indices = @transform_0, window_bounds = array<i64: 1024, 256>}, {pipeline_mode = #tpu.pipeline_mode<synchronous>, transform_indices = @transform_1, window_bounds = array<i64: 8192, 256>}, {transform_indices = @transform_2, window_bounds = array<i64: 1, 1024, 1>}, {pipeline_mode = #tpu.pipeline_mode<synchronous>, transform_indices = @transform_3, window_bounds = array<i64: 1, 8192>}, {transform_indices = @transform_4, window_bounds = array<i64: 1, 1, 1024>}, {transform_indices = @transform_5, window_bounds = array<i64: 1, 1, 1024>}]} {
    %get3A = arith.constant 0 : index
    %get3A_0 = arith.constant 0 : index
    %get3A_1 = vector.load %arg1[%get3A, %get3A_0] : memref<1024x256xbf16, #tpu.memory_space<vmem>>, vector<1024x256xbf16>
    %get3A_2 = arith.constant 0 : index
    %get3A_3 = arith.constant 0 : index
    %get3A_4 = vector.load %arg2[%get3A_2, %get3A_3] : memref<8192x256xbf16, #tpu.memory_space<vmem>>, vector<8192x256xbf16>
    %dot_general3A = arith.constant dense<0.000000e+00> : vector<1024x8192xf32>
    %dot_general3A_5 = tpu.matmul %get3A_1, %get3A_4, %dot_general3A {dimension_numbers = #tpu.dot_dimension_numbers<[1], [1], [0], [0], [0, 0, 1, 0], [], []>, transpose_lhs_hint = false} : vector<1024x256xbf16>, vector<8192x256xbf16>, vector<1024x8192xf32> -> vector<1024x8192xf32>
    %get3A_6 = arith.constant 0 : index
    %get3A_7 = arith.constant 0 : index
    %get3A_8 = arith.constant 0 : index
    %get3A_9 = vector.load %arg3[%get3A_6, %get3A_7, %get3A_8] : memref<1x1024x1xf32, #tpu.memory_space<vmem>>, vector<1x1024x1xf32>
    %get3A_10 = vector.shape_cast %get3A_9 : vector<1x1024x1xf32> to vector<1024x1xf32>
    %get3A_11 = arith.constant 0 : index
    %get3A_12 = arith.constant 0 : index
    %get3A_13 = vector.load %arg4[%get3A_11, %get3A_12] : memref<1x8192xf32, #tpu.memory_space<vmem>>, vector<1x8192xf32>
    %add3A = vector.broadcast %get3A_10 : vector<1024x1xf32> to vector<1024x8192xf32>
    %add3A_14 = vector.broadcast %get3A_13 : vector<1x8192xf32> to vector<1024x8192xf32>
    %add3A_15 = arith.addf %add3A, %add3A_14 : vector<1024x8192xf32>
    %mul3A = arith.constant 2.000000e+00 : f32
    %mul3A_16 = vector.broadcast %mul3A : f32 to vector<1024x8192xf32>
    %mul3A_17 = arith.mulf %mul3A_16, %dot_general3A_5 : vector<1024x8192xf32>
    %sub3A = arith.subf %add3A_15, %mul3A_17 : vector<1024x8192xf32>
    %slice3A = vector.extract_strided_slice %sub3A {offsets = [0, 0], sizes = [1024, 4096], strides = [1, 1]} : vector<1024x8192xf32> to vector<1024x4096xf32>
    %reduce_min3A = arith.constant dense<0x7F800000> : vector<1024xf32>
    %reduce_min3A_18 = vector.multi_reduction <minimumf>, %slice3A, %reduce_min3A [1] : vector<1024x4096xf32> to vector<1024xf32>
    %broadcast_in_dim3A = vector.shape_cast %reduce_min3A_18 : vector<1024xf32> to vector<1024x1xf32>
    %iota3A = tpu.iota {dimensions = array<i32: 1>} : vector<1024x4096xi32>
    %add3A_19 = arith.constant 0 : i32
    %add3A_20 = vector.broadcast %add3A_19 : i32 to vector<1024x4096xi32>
    %add3A_21 = arith.addi %iota3A, %add3A_20 : vector<1024x4096xi32>
    %eq3A = vector.broadcast %broadcast_in_dim3A : vector<1024x1xf32> to vector<1024x4096xf32>
    %eq3A_22 = arith.cmpf oeq, %slice3A, %eq3A : vector<1024x4096xf32>
    %jit3A = arith.constant 8192 : i32
    %broadcast_in_dim3A_23 = vector.broadcast %jit3A : i32 to vector<1024x4096xi32>
    %select_n3A = arith.select %eq3A_22, %add3A_21, %broadcast_in_dim3A_23 : vector<1024x4096xi1>, vector<1024x4096xi32>
    %reduce_min3A_24 = arith.constant dense<2147483647> : vector<1024xi32>
    %reduce_min3A_25 = vector.multi_reduction <minsi>, %select_n3A, %reduce_min3A_24 [1] : vector<1024x4096xi32> to vector<1024xi32>
    %squeeze3A = vector.shape_cast %broadcast_in_dim3A : vector<1024x1xf32> to vector<1024xf32>
    %slice3A_26 = vector.extract_strided_slice %sub3A {offsets = [0, 4096], sizes = [1024, 4096], strides = [1, 1]} : vector<1024x8192xf32> to vector<1024x4096xf32>
    %reduce_min3A_27 = arith.constant dense<0x7F800000> : vector<1024xf32>
    %reduce_min3A_28 = vector.multi_reduction <minimumf>, %slice3A_26, %reduce_min3A_27 [1] : vector<1024x4096xf32> to vector<1024xf32>
    %broadcast_in_dim3A_29 = vector.shape_cast %reduce_min3A_28 : vector<1024xf32> to vector<1024x1xf32>
    %iota3A_30 = tpu.iota {dimensions = array<i32: 1>} : vector<1024x4096xi32>
    %add3A_31 = arith.constant 4096 : i32
    %add3A_32 = vector.broadcast %add3A_31 : i32 to vector<1024x4096xi32>
    %add3A_33 = arith.addi %iota3A_30, %add3A_32 : vector<1024x4096xi32>
    %eq3A_34 = vector.broadcast %broadcast_in_dim3A_29 : vector<1024x1xf32> to vector<1024x4096xf32>
    %eq3A_35 = arith.cmpf oeq, %slice3A_26, %eq3A_34 : vector<1024x4096xf32>
    %jit3A_36 = arith.constant 8192 : i32
    %broadcast_in_dim3A_37 = vector.broadcast %jit3A_36 : i32 to vector<1024x4096xi32>
    %select_n3A_38 = arith.select %eq3A_35, %add3A_33, %broadcast_in_dim3A_37 : vector<1024x4096xi1>, vector<1024x4096xi32>
    %reduce_min3A_39 = arith.constant dense<2147483647> : vector<1024xi32>
    %reduce_min3A_40 = vector.multi_reduction <minsi>, %select_n3A_38, %reduce_min3A_39 [1] : vector<1024x4096xi32> to vector<1024xi32>
    %squeeze3A_41 = vector.shape_cast %broadcast_in_dim3A_29 : vector<1024x1xf32> to vector<1024xf32>
    %convert_element_type3A = arith.truncf %squeeze3A : vector<1024xf32> to vector<1024xbf16>
    %convert_element_type3A_42 = arith.extf %convert_element_type3A : vector<1024xbf16> to vector<1024xf32>
    %lt3A = arith.cmpf olt, %squeeze3A_41, %convert_element_type3A_42 : vector<1024xf32>
    %select_n3A_43 = arith.select %lt3A, %reduce_min3A_40, %reduce_min3A_25 : vector<1024xi1>, vector<1024xi32>
    %swap3A = arith.constant 0 : index
    %swap3A_44 = arith.constant 0 : index
    %swap3A_45 = arith.constant 0 : index
    %swap3A_46 = vector.load %arg5[%swap3A, %swap3A_44, %swap3A_45] : memref<1x1x1024xi32, #tpu.memory_space<vmem>>, vector<1x1x1024xi32>
    %swap3A_47 = vector.shape_cast %swap3A_46 : vector<1x1x1024xi32> to vector<1024xi32>
    %swap3A_48 = vector.shape_cast %select_n3A_43 : vector<1024xi32> to vector<1x1x1024xi32>
    tpu.vector_store %arg5[%swap3A, %swap3A_44, %swap3A_45], %swap3A_48 {strides = array<i32>} : memref<1x1x1024xi32, #tpu.memory_space<vmem>>, vector<1x1x1024xi32>,
    %select_n3A_49 = arith.select %lt3A, %squeeze3A_41, %squeeze3A : vector<1024xi1>, vector<1024xf32>
    %swap3A_50 = arith.constant 0 : index
    %swap3A_51 = arith.constant 0 : index
    %swap3A_52 = arith.constant 0 : index
    %swap3A_53 = vector.load %arg6[%swap3A_50, %swap3A_51, %swap3A_52] : memref<1x1x1024xf32, #tpu.memory_space<vmem>>, vector<1x1x1024xf32>
    %swap3A_54 = vector.shape_cast %swap3A_53 : vector<1x1x1024xf32> to vector<1024xf32>
    %swap3A_55 = vector.shape_cast %select_n3A_49 : vector<1024xf32> to vector<1x1x1024xf32>
    tpu.vector_store %arg6[%swap3A_50, %swap3A_51, %swap3A_52], %swap3A_55 {strides = array<i32>} : memref<1x1x1024xf32, #tpu.memory_space<vmem>>, vector<1x1x1024xf32>,
    return
  }
  func.func @transform_0(%arg0: i32) -> (i32, i32) {
    %c0_i32 = arith.constant 0 : i32
    %c0_i32_0 = arith.constant 0 : i32
    return %arg0, %c0_i32 : i32, i32
  }
  func.func @transform_1(%arg0: i32) -> (i32, i32) {
    %c0_i32 = arith.constant 0 : i32
    %c0_i32_0 = arith.constant 0 : i32
    %c0_i32_1 = arith.constant 0 : i32
    return %c0_i32, %c0_i32_0 : i32, i32
  }
  func.func @transform_2(%arg0: i32) -> (i32, i32, i32) {
    %c0_i32 = arith.constant 0 : i32
    %c0_i32_0 = arith.constant 0 : i32
    %c0_i32_1 = arith.constant 0 : i32
    return %arg0, %c0_i32, %c0_i32_0 : i32, i32, i32
  }
  func.func @transform_3(%arg0: i32) -> (i32, i32) {
    %c0_i32 = arith.constant 0 : i32
    %c0_i32_0 = arith.constant 0 : i32
    %c0_i32_1 = arith.constant 0 : i32
    return %c0_i32, %c0_i32_0 : i32, i32
  }
  func.func @transform_4(%arg0: i32) -> (i32, i32, i32) {
    %c0_i32 = arith.constant 0 : i32
    %c0_i32_0 = arith.constant 0 : i32
    %c0_i32_1 = arith.constant 0 : i32
    return %arg0, %c0_i32, %c0_i32_0 : i32, i32, i32
  }
  func.func @transform_5(%arg0: i32) -> (i32, i32, i32) {
    %c0_i32 = arith.constant 0 : i32
    %c0_i32_0 = arith.constant 0 : i32
    %c0_i32_1 = arith.constant 0 : i32
    return %arg0, %c0_i32, %c0_i32_0 : i32, i32, i32
  }
}

module attributes {stable_mosaic.version = 14 : i64} {
  func.func @_scalars_body(%arg0: memref<64x128xf32, #tpu.memory_space<vmem>>, %arg1: memref<32x8192xf32, #tpu.memory_space<vmem>>, %arg2: memref<1x1xf32, #tpu.memory_space<vmem>>, %arg3: memref<1x1xf32, #tpu.memory_space<vmem>>) attributes {dimension_semantics = [], scalar_prefetch = 0 : i64, scratch_operands = 0 : i64, tpu.core_type = #tpu.core_type<tc>} {
    %get3A = arith.constant 0 : index
    %get3A_0 = arith.constant 0 : index
    %get3A_1 = vector.load %arg0[%get3A, %get3A_0] : memref<64x128xf32, #tpu.memory_space<vmem>>, vector<64x128xf32>
    %reduce_sum3A = vector.shape_cast %get3A_1 : vector<64x128xf32> to vector<1x64x128xf32>
    %reduce_sum3A_2 = arith.constant dense<0.000000e+00> : vector<1xf32>
    %reduce_sum3A_3 = vector.multi_reduction <add>, %reduce_sum3A, %reduce_sum3A_2 [1, 2] : vector<1x64x128xf32> to vector<1xf32>
    %reduce_sum3A_4 = vector.shape_cast %reduce_sum3A_3 : vector<1xf32> to vector<1x1x1xf32>
    %reduce_sum3A_5 = vector.extract %reduce_sum3A_4[0, 0, 0] : f32 from vector<1x1x1xf32>
    %mul3A = arith.constant 5.96046448E-7 : f32
    %mul3A_6 = arith.mulf %reduce_sum3A_5, %mul3A : f32
    %reshape3A = vector.broadcast %mul3A_6 : f32 to vector<1x1xf32>
    %swap3A = arith.constant 0 : index
    %swap3A_7 = arith.constant 0 : index
    %swap3A_8 = vector.load %arg2[%swap3A, %swap3A_7] : memref<1x1xf32, #tpu.memory_space<vmem>>, vector<1x1xf32>
    tpu.vector_store %arg2[%swap3A, %swap3A_7], %reshape3A {strides = array<i32>} : memref<1x1xf32, #tpu.memory_space<vmem>>, vector<1x1xf32>,
    %get3A_9 = arith.constant 0 : index
    %get3A_10 = arith.constant 0 : index
    %get3A_11 = vector.load %arg1[%get3A_9, %get3A_10] : memref<32x8192xf32, #tpu.memory_space<vmem>>, vector<32x8192xf32>
    %reduce_sum3A_12 = arith.constant dense<0.000000e+00> : vector<8192xf32>
    %reduce_sum3A_13 = vector.multi_reduction <add>, %get3A_11, %reduce_sum3A_12 [0] : vector<32x8192xf32> to vector<8192xf32>
    %mul3A_14 = arith.constant 1.22070313E-4 : f32
    %mul3A_15 = vector.broadcast %mul3A_14 : f32 to vector<8192xf32>
    %mul3A_16 = arith.mulf %reduce_sum3A_13, %mul3A_15 : vector<8192xf32>
    %add3A = arith.constant 1.000000e-10 : f32
    %add3A_17 = vector.broadcast %add3A : f32 to vector<8192xf32>
    %add3A_18 = arith.addf %mul3A_16, %add3A_17 : vector<8192xf32>
    %log3A = math.log %add3A_18 : vector<8192xf32>
    %mul3A_19 = arith.mulf %mul3A_16, %log3A : vector<8192xf32>
    %reduce_sum3A_20 = vector.shape_cast %mul3A_19 : vector<8192xf32> to vector<1x8192xf32>
    %reduce_sum3A_21 = arith.constant dense<0.000000e+00> : vector<1xf32>
    %reduce_sum3A_22 = vector.multi_reduction <add>, %reduce_sum3A_20, %reduce_sum3A_21 [1] : vector<1x8192xf32> to vector<1xf32>
    %reduce_sum3A_23 = vector.shape_cast %reduce_sum3A_22 : vector<1xf32> to vector<1x1xf32>
    %reduce_sum3A_24 = vector.extract %reduce_sum3A_23[0, 0] : f32 from vector<1x1xf32>
    %neg3A = arith.constant 0.000000e+00 : f32
    %neg3A_25 = arith.subf %neg3A, %reduce_sum3A_24 : f32
    %exp3A = math.exp %neg3A_25 : f32
    %reshape3A_26 = vector.broadcast %exp3A : f32 to vector<1x1xf32>
    %swap3A_27 = arith.constant 0 : index
    %swap3A_28 = arith.constant 0 : index
    %swap3A_29 = vector.load %arg3[%swap3A_27, %swap3A_28] : memref<1x1xf32, #tpu.memory_space<vmem>>, vector<1x1xf32>
    tpu.vector_store %arg3[%swap3A_27, %swap3A_28], %reshape3A_26 {strides = array<i32>} : memref<1x1xf32, #tpu.memory_space<vmem>>, vector<1x1xf32>,
    return
  }
}

</mosaic_0001>

<sc_bundles>
// kernel: kernel.5.cloned.1.call-start
scs
__scs_entry_jumppad:
0x0: {  	(pc) =	sbr.rel $0x88, $3  }
0x1: {  	(tag) =	ssettag $0x0;
	lr =	simm.s32 $0x1  }
0x2: {  	[smem:$0x3F9F] =	sst lr;
	_ =	strace $0xD0000000  }
0x3: {  	_ = 	snop  }
0x4: {  	_ = 	snop  }
0x5: {  	_ = 	snop  }
0x6: {  	_ = 	snop  }
0x7: {  	_ = 	snop  }
__scs_overlays_trampoline_lowered:
0x8: {  	[smem:$0x3FAE] =	sst s0  }
0x9: {  	[smem:$0x3FAF] =	sst s1  }
0xa: {  	[smem:$0x3FB0] =	sst s2  }
0xb: {  	[smem:$0x3FB1] =	sst s3  }
0xc: {  	[smem:$0x3FB2] =	sst s4  }
0xd: {  	[smem:$0x3FB3] =	sst s5  }
0xe: {  	[smem:$0x3FB4] =	sst s6  }
0xf: {  	[smem:$0x3FB5] =	sst s7  }
0x10: {  	[smem:$0x3FB6] =	sst s8  }
0x11: {  	[smem:$0x3FB7] =	sst s9;
	s0 =	simm.s32 @!p0 $0x0  }
0x12: {  	s1 =	sld [smem:$0x3F9D];
	s0 =	simm.s32 @p0 $0x1  }
0x13: {  	[smem:$0x3FB8] =	sst s0;
	s0 =	simm.s32 @!p1 $0x0  }
0x14: {  	s2 =	sld [smem:$0x3F9C];
	s0 =	simm.s32 @p1 $0x1  }
0x15: {  	[smem:$0x3FB9] =	sst s0;
	s0 =	simm.s32 @!p2 $0x0  }
0x16: {  	s3 =	sld [smem:$0x3FDB];
	s0 =	simm.s32 @p2 $0x1  }
0x17: {  	s4 =	simm.s32 $0x1BF5;
	[smem:$0x3FBB] =	sst s0  }
0x18: {  	s0 =	sld [smem:$0x3F9E];
	_ =	swait.ge [sflag:s4], $0x0  }
0x19: {  	s7 =	sld [smem:$0x3F9F]  }
0x1a: {  	s8 =	sadd.s32 $0xFFFFE003, lr  }
0x1b: {  	s9 =	sadd.s32 $0xFFFFFEF7, lr;
	s5 =	simm.s32 $0xFFFFFFFF;
	p2 =	slt.u32 s8, $0xFFFFF086  }
0x1c: {  	p1 =	slt.u32 s9, $0xF7A;
	s5 =	simm.s32 @!p2 $0x0  }
0x1d: {  	s5 =	simm.s32 @p1 $0x1;
	p0 =	seq.s32 s7, s2  }
0x1e: {  	s7 =	smul.u32 @!p0 $0xF7A, s2;
	p2 =	seq.s32 @!p0 s5, $0x0  }
0x1f: {  	s9 =	smul.u32 $0xF7A, s1;
	s8 =	simm.s32 @!p0 $0x1BF5;
	p2 =	por !p2, p0  }
0x20: {  	[sflag:s8] =	ssyncset.s32 @!p0 $0xFFFFF086;
	s6 =	sadd.s32 @!p0 s3, s7;
	s7 =	simm.s32 @!p0 $0x108  }
0x21: {  	s3 =	sadd.s32 s3, s9;
	s6 =	sadd.s32 @!p0 $0x88, s6;
	s7 =	simm.s32 @p2 $0x1082  }
0x22: {  	[simem:s7], [sflag:s8] =	dma.local @!p0 [hbm:s6], $0xF7A  }
0x23: {  	s9 =	sor.u32 $0xD0000000, s2;
	s6 =	simm.s32 $0x108;
	_ =	swait.ge @!p0 [sflag:s8], $0x0  }
0x24: {  	s3 =	sadd.s32 $0x88, s3;
	s6 =	simm.s32 @!p1 $0x1082;
	[sflag:s4] =	ssyncset.s32 $0xFFFFF086  }
0x25: {  	[simem:s6], [sflag:s4] =	dma.local [hbm:s3], $0xF7A  }
0x26: {  	[smem:$0x3F9F] =	sst s1;
	(tag) =	ssettag s2;
	_ =	strace s9  }
0x27: {  	s1 =	sld [smem:$0x3FAF]  }
0x28: {  	s2 =	sld [smem:$0x3FB0]  }
0x29: {  	s4 =	sld [smem:$0x3FB2]  }
0x2a: {  	p0 =	seq.s32 s5, $0x0;
	s5 =	sld [smem:$0x3FB3]  }
0x2b: {  	s6 =	sld [smem:$0x3FB4]  }
0x2c: {  	s7 =	sld [smem:$0x3FB5]  }
0x2d: {  	s3 =	simm.s32 $0x108;
	s8 =	sld [smem:$0x3FB6]  }
0x2e: {  	s3 =	simm.s32 @!p0 $0x1082;
	s9 =	sld [smem:$0x3FB7]  }
0x2f: {  	lr =	sadd.s32 s0, s3;
	s0 =	sld [smem:$0x3FAE]  }
0x30: {  	s3 =	sld [smem:$0x3FB1]  }
0x31: {  	[smem:$0x3FBA] =	sst s10  }
0x32: {  	s10 =	sld [smem:$0x3FB8];
	_ =	sdelay $0x3  }
0x33: {  	p0 =	seq.s32 s10, $0x1;
	s10 =	sld [smem:$0x3FBA];
	_ =	sdelay $0x3  }
0x34: {  	[smem:$0x3FBA] =	sst s10  }
0x35: {  	s10 =	sld [smem:$0x3FB9];
	_ =	sdelay $0x3  }
0x36: {  	p1 =	seq.s32 s10, $0x1;
	s10 =	sld [smem:$0x3FBA];
	_ =	sdelay $0x3  }
0x37: {  	[smem:$0x3FBA] =	sst s10  }
0x38: {  	s10 =	sld [smem:$0x3FBB]  }
0x39: {  	_ = 	snop;
	(pc) =	sbr.ind lr, $3  }
0x3a: {  	_ = 	snop  }
0x3b: {  	_ = 	snop  }
0x3c: {  	p2 =	seq.s32 s10, $0x1;
	s10 =	sld [smem:$0x3FBA]  }
0x3d: {  	_ =	shalt  }
0x3e: {  	_ =	shalt  }
0x3f: {  	_ =	shalt  }
0x40: {  	_ =	shalt  }
0x41: {  	_ =	shalt  }
0x42: {  	_ =	shalt  }
0x43: {  	_ =	shalt  }
0x44: {  	_ =	shalt  }
0x45: {  	_ =	shalt  }
0x46: {  	_ =	shalt  }
0x47: {  	_ =	shalt  }
0x48: {  	_ =	shalt  }
0x49: {  	_ =	shalt  }
0x4a: {  	_ =	shalt  }
0x4b: {  	_ =	shalt  }
0x4c: {  	_ =	shalt  }
0x4d: {  	_ =	shalt  }
0x4e: {  	_ =	shalt  }
0x4f: {  	_ =	shalt  }
0x50: {  	_ =	shalt  }
0x51: {  	_ =	shalt  }
0x52: {  	_ =	shalt  }
0x53: {  	_ =	shalt  }
0x54: {  	_ =	shalt  }
0x55: {  	_ =	shalt  }
0x56: {  	_ =	shalt  }
0x57: {  	_ =	shalt  }
0x58: {  	_ =	shalt  }
0x59: {  	_ =	shalt  }
0x5a: {  	_ =	shalt  }
0x5b: {  	_ =	shalt  }
0x5c: {  	_ =	shalt  }
0x5d: {  	_ =	shalt  }
0x5e: {  	_ =	shalt  }
0x5f: {  	_ =	shalt  }
0x60: {  	_ =	shalt  }
0x61: {  	_ =	shalt  }
0x62: {  	_ =	shalt  }
0x63: {  	_ =	shalt  }
0x64: {  	_ =	shalt  }
0x65: {  	_ =	shalt  }
0x66: {  	_ =	shalt  }
0x67: {  	_ =	shalt  }
0x68: {  	_ =	shalt  }
0x69: {  	_ =	shalt  }
0x6a: {  	_ =	shalt  }
0x6b: {  	_ =	shalt  }
0x6c: {  	_ =	shalt  }
0x6d: {  	_ =	shalt  }
0x6e: {  	_ =	shalt  }
0x6f: {  	_ =	shalt  }
0x70: {  	_ =	shalt  }
0x71: {  	_ =	shalt  }
0x72: {  	_ =	shalt  }
0x73: {  	_ =	shalt  }
0x74: {  	_ =	shalt  }
0x75: {  	_ =	shalt  }
0x76: {  	_ =	shalt  }
0x77: {  	_ =	shalt  }
0x78: {  	_ =	shalt  }
0x79: {  	_ =	shalt  }
0x7a: {  	_ =	shalt  }
0x7b: {  	_ =	shalt  }
0x7c: {  	_ =	shalt  }
0x7d: {  	_ =	shalt  }
0x7e: {  	_ =	shalt  }
0x7f: {  	_ =	shalt  }
0x80: {  	_ =	shalt  }
0x81: {  	_ =	shalt  }
0x82: {  	_ =	shalt  }
0x83: {  	_ =	shalt  }
0x84: {  	_ =	shalt  }
0x85: {  	_ =	shalt  }
0x86: {  	_ =	shalt  }
0x87: {  	_ =	shalt  }
.Lfunc_end0:
.L_simem_size_0:
called_computation_lowered:
.L_overlay_start_0:
0x88: {  	s2 =	sld [smem:$0x3FD9]  }
0x89: {  	s3 =	sld [smem:$0x3FFE];
	_ =	sdelay $0x1  }
0x8a: {  	s1 =	srdreg.scid  }
0x8b: {  	s0 =	sand.u32 $0x1, s1  }
0x8c: {  	s14 =	sshll.u32 s0, $0xA;
	s2 =	sadd.s32 s3, s2  }
0x8d: {  	s2 =	sadd.s32 s2, s14  }
0x8e: {  	[smem:$0x3FC6] =	sst s2  }
0x8f: {  	_ = 	snop  }
0x90: {  	s2 =	sld [smem:$0x3FD0];
	_ =	sdelay $0x2  }
0x91: {  	s4 =	simm.s32 $0xA;
	s5 =	simm.s32 $0x10;
	s15 =	sld [smem:$0x3FC8]  }
0x92: {  	[smem:s5], [sflag:s4] =	dma.local [hbm:s2], $0x1  }
0x93: {  	_ =	swait.eq [sflag:s4], $0x1  }
0x94: {  	[sflag:s4] =	ssyncset.done $0x0  }
0x95: {  	[sflag:s4] =	ssyncadd.s32 $0xFFFFFFFF  }
0x96: {  	s16 =	sld [smem:$0x10];
	(tm) =	ssettm $0x1  }
0x97: {  	s17 =	sld [smem:$0x3FFB];
	_ =	sdelay $0x3  }
0x98: {  	_ =	strace s17  }
0x99: {  	s4 =	sld [smem:$0x3FFC];
	_ =	sdelay $0x3  }
0x9a: {  	_ =	strace s4  }
0x9b: {  	s4 =	sld [smem:$0x3FFD];
	_ =	sdelay $0x3  }
0x9c: {  	_ =	strace s4  }
0x9d: {  	_ =	strace $0x8FFFFFFF  }
0x9e: {  	s18 =	sld [smem:$0x3FDB];
	_ =	sdelay $0x1  }
0x9f: {  	s19 =	simm.s32 $_scs_section_size  }
0xa0: {  	s6 =	simm.s32 $_size__tile_overlayer_lowered;
	s7 =	simm.s32 $_tile_overlayer_lowered  }
0xa1: {  	s22 =	simm.s32 $0x1BFF;
	s21 =	sshll.u32 s7, $0x1;
	s4 =	sadd.s32 s19, s18  }
0xa2: {  	s8 =	simm.s32 $0x0;
	s20 =	sshll.u32 s6, $0x1;
	s6 =	sadd.s32 s21, s4  }
0xa3: {  	[timem:s8], [sflag:s22] =	dma.local [hbm:s6], s20  }
0xa4: {  	_ =	swait.ge [sflag:s22], s20  }
0xa5: {  	s5 =	ssub.s32 $0x0, s20;
	[sflag:s22] =	ssyncset.done $0x0  }
0xa6: {  	[sflag:s22] =	ssyncadd.s32 s5;
	_ =	sdelay $0x1  }
0xa7: {  	s23 =	simm.s32 $0x1B8B  }
0xa8: {  	_ =	swait.ge [sflag:s23], $0x1  }
0xa9: {  	[sflag:s23] =	ssyncset.done $0x0  }
0xaa: {  	s25 =	simm.s32 $0x1B8E;
	s24 =	sld [smem:$0x3FFE];
	[sflag:s23] =	ssyncadd.s32 $0xFFFFFFFF  }
0xab: {  	s26 =	simm.s32 $execute0_lowered;
	[smem:$0x3FD2] =	sst s25  }
0xac: {  	s6 =	sshll.u32 s26, $0x1;
	_ =	strace $0x80000046;
	[dreg:$0x1] =	wrdreg $0xFFFFFFFF  }
0xad: {  	s28 =	simm.s32 $_size_execute0_lowered;
	s4 =	sadd.s32 s4, s6;
	[dreg:$0x0] =	wrdreg $0x0  }
0xae: {  	s6 =	sshll.u32 s28, $0x1;
	[dreg:$0x2] =	wrdreg s4  }
0xaf: {  	[dreg:$0x3] =	wrdreg s6  }
0xb0: {  	[dreg:$0x4] =	wrdreg $0xC0  }
0xb1: {  	_ =	task [dreg:s8], $0x5FFFF  }
0xb2: {  	[dreg:$0x1] =	wrdreg $0xFFFFFFFF  }
0xb3: {  	[dreg:$0x0] =	wrdreg $0x60  }
0xb4: {  	[dreg:$0x2] =	wrdreg s15  }
0xb5: {  	[dreg:$0x3] =	wrdreg s24  }
0xb6: {  	[dreg:$0x4] =	wrdreg s16  }
0xb7: {  	[dreg:$0x5] =	wrdreg $0x9  }
0xb8: {  	_ =	task.clear_ibuf [dreg:s8], $0x6FFFF;
	_ =	strace $0x90000046  }
0xb9: {  	s29 =	simm.s32 $0x9;
	_ =	strace $0x80000048  }
0xba: {  	_ =	swait.ge [sflag:s29], $0x1  }
0xbb: {  	[sflag:s29] =	ssyncadd.s32 $0xFFFFFFFF  }
0xbc: {  	_ =	strace $0x90000048  }
0xbd: {  	_ =	sfence  }
0xbe: {  	s30 =	sld [smem:$0x0];
	_ =	sdelay $0x2  }
0xbf: {  	s31 =	sshll.u32 s1, $0xD;
	s1 =	sshrl.u32 s1, $0x2  }
0xc0: {  	s3 =	sand.u32 $0x4000, s31;
	s1 =	sadd.s32 s1, s30  }
0xc1: {  	s0 =	sor.u32 s3, s0;
	s1 =	sshll.u32 s1, $0x11  }
0xc2: {  	s0 =	sor.u32 s1, s0  }
0xc3: {  	s0 =	sadd.s32 $0x8F2B, s0  }
0xc4: {  	[sflag:s0] =	ssyncadd.remote.s32 $0x1  }
0xc5: {  	_ =	sfence.sel $0xFFFF  }
0xc6: {  	[dreg:$0x0] =	wrdreg $0xFFFFFFFF;
	(pc) =	sbr.abs _section_cstart, $3  }
0xc7: {  	[dreg:$0x1] =	wrdreg $0xFFFFFFFF  }
0xc8: {  	_ =	task.clear_ibuf [dreg:s8], $0x2FFFF;
	_ =	strace $0x9FFFFFFF  }
0xc9: {  	(tm) =	ssettm $0x7FFFFFFF  }
tec
execute0_lowered:
.L_overlay_start_1:
0x0: {  	(tag) =	ssettag $0x1  }
0x1: {  	s1 =	rddreg [dreg:$0x0]  }
0x2: {  	s0 =	rddreg [dreg:$0x1]  }
0x3: {  	s2 =	srdreg.scid;
	s3 =	stileid.u32  }
0x4: {  	s4 =	rddreg [dreg:$0x2];
	s9 =	simm.s32 $0x2;
	s10 =	simm.s32 $0x100  }
0x5: {  	s11 =	simm.s32 $0x900;
	s12 =	simm.s32 $0x1100;
	s13 =	simm.s32 $0x1900  }
0x6: {  	s14 =	simm.s32 $0x2100;
	s15 =	simm.s32 $0x2900;
	s16 =	simm.s32 $0x3100  }
0x7: {  	s17 =	simm.s32 $0x3900;
	s18 =	simm.s32 $0x4100;
	s19 =	simm.s32 $0x4900  }
0x8: {  	s20 =	simm.s32 $0x5100;
	s21 =	simm.s32 $0x5900;
	s22 =	simm.s32 $0x6100  }
0x9: {  	s23 =	simm.s32 $0x6900;
	s24 =	simm.s32 $0x7100;
	s25 =	simm.s32 $0x7900  }
0xa: {  	s28 =	simm.s32 $0x8100;
	s29 =	simm.s32 $0x80;
	s30 =	simm.s32 $0x400  }
0xb: {  	s31 =	simm.s32 $0x0;
	s2 =	sand.u32 $0x1, s2;
	s3 =	sshll.u32 s3, $0x1  }
0xc: {  	s5 =	sor.u32 s2, s3;
	s3 =	simm.s32 $0x0;
	s2 =	ssub.s32 $0x2, s2  }
0xd: {  	s6 =	sshll.u32 s5, $0xD;
	s7 =	sshll.u32 s5, $0x7;
	[smem:$0x7FF] =	sst s3  }
0xe: {  	s5 =	sshll.u32 s5, $0x5;
	s26 =	sshrl.u32 s2, $0x1;
	s7 =	sor.u32 s7, s6  }
0xf: {  	_ =	strace $0x80000047;
	s5 =	sadd.s32 s5, s0;
	s7 =	sand.u32 $0x30380, s7  }
0x10: {  	v3 =	vlaneseq.u32;
	v0 =	vimm.f32 $0.0e+00;
	s4 =	sadd.s32 s4, s6;
	s2 =	ssub.s32 s2, s26;
	s7 =	sshrl.u32 s7, $0x3  }
0x11: {  	vm0 =	vmmov $0xffff;
	v4 =	vimm.f32 $1.000000000e+00;
	v2 =	vshrl.u32 v3, $0x3;
	s26 =	simm.s32 $0x1;
	s5 =	sadd.s32 $0x1200, s5;
	s0 =	sadd.s32 s7, s0  }
0x12: {  	v1 =	vand.u32 $0x7, v3;
	v3 =	vor.u32 $0x8, v3;
	v2 =	vmul.u32 $0x8, v2;
	s6 =	sadd.s32 $0x1000, s4;
	s8 =	smax.u32 s2, $0x1;
	s7 =	sadd.s32 $0x1600, s0  }
.LBB2_1:
0x13: {  	[tilespmem:s3], [sflag:$0x2] =	stream.linear.gather [hbm4b:s5+s3], $0x100, $0x38;
	[tilespmem:$0xA100] =	vst v63  }
0x14: {  	_ =	swait.ge [sflag:s9], $0x100  }
0x15: {  	[sflag:s9] =	ssyncset.done $0x0  }
0x16: {  	s2 =	simm.s32 $0x40;
	s0 =	simm.s32 $0x0;
	[sflag:s9] =	ssyncadd.s32 $0xFFFFFF00  }
.LBB2_2:
0x17: {  	p0 =	sne.s32 s2, $0x7FC0;
	[tilespmem:s0+$0x8100] =	vst v0;
	s0 =	smov.u32 s2;
	s2 =	sadd.s32 $0x40, s2  }
.Ltmp0:
0x18: {  	(pc) =	sbr.rel @p0 .LBB2_2-.Ltmp0, $2  }
0x19: {  	_ =	sdelay $0x2  }
0x1a: {  	s0 =	sshra.s32 s0, $0x2  }
0x1b: {  	[tilespmem:s0+$0x8100] =	vst v0  }
0x1c: {  	v5 =	vld [tilespmem:$0x0];
	_ =	sdelay $0x4  }
0x1d: {  	v6 =	vshll.u32 v5, $0x1  }
0x1e: {  	v5 =	vand.u32 $0x7, v5;
	v6 =	vand.u32 $0xFFFFFFF0, v6  }
0x1f: {  	v5 =	vor.u32 v5, v6  }
0x20: {  	v6 =	vperm.xlane v5, v1;
	_ =	sdelay $0x1  }
0x21: {  	v5 =	vperm.xlane v5, v3;
	v6 =	vadd.s32 v2, v6;
	_ =	sdelay $0x1  }
0x22: {  	v5 =	vadd.s32 v2, v5;
	_ =	sdelay $0x2  }
0x23: {  	[tilespmem:s10], [sflag:$0x1] =	stream.indirect_vreg.gather [hbm4b:s1+s3], $0x80, v6, vm0, $0xb8;
	[tilespmem:$0xA100] =	vst v63  }
0x24: {  	_ = 	snop  }
0x25: {  	[tilespmem:s11], [sflag:$0x1] =	stream.indirect_vreg.gather [hbm4b:s1+s3], $0x80, v5, vm0, $0xb8;
	[tilespmem:$0xA100] =	vst v63  }
0x26: {  	v5 =	vld [tilespmem:$0x10];
	_ =	sdelay $0x4  }
0x27: {  	v6 =	vshll.u32 v5, $0x1  }
0x28: {  	v5 =	vand.u32 $0x7, v5;
	v6 =	vand.u32 $0xFFFFFFF0, v6  }
0x29: {  	v5 =	vor.u32 v5, v6  }
0x2a: {  	v6 =	vperm.xlane v5, v1;
	_ =	sdelay $0x1  }
0x2b: {  	v5 =	vperm.xlane v5, v3;
	v6 =	vadd.s32 v2, v6;
	_ =	sdelay $0x1  }
0x2c: {  	v5 =	vadd.s32 v2, v5;
	_ =	sdelay $0x2  }
0x2d: {  	[tilespmem:s12], [sflag:$0x1] =	stream.indirect_vreg.gather [hbm4b:s1+s3], $0x80, v6, vm0, $0xb8;
	[tilespmem:$0xA100] =	vst v63  }
0x2e: {  	_ = 	snop  }
0x2f: {  	[tilespmem:s13], [sflag:$0x1] =	stream.indirect_vreg.gather [hbm4b:s1+s3], $0x80, v5, vm0, $0xb8;
	[tilespmem:$0xA100] =	vst v63  }
0x30: {  	v5 =	vld [tilespmem:$0x20];
	_ =	sdelay $0x4  }
0x31: {  	v6 =	vshll.u32 v5, $0x1  }
0x32: {  	v5 =	vand.u32 $0x7, v5;
	v6 =	vand.u32 $0xFFFFFFF0, v6  }
0x33: {  	v5 =	vor.u32 v5, v6  }
0x34: {  	v6 =	vperm.xlane v5, v1;
	_ =	sdelay $0x1  }
0x35: {  	v5 =	vperm.xlane v5, v3;
	v6 =	vadd.s32 v2, v6;
	_ =	sdelay $0x1  }
0x36: {  	v5 =	vadd.s32 v2, v5;
	_ =	sdelay $0x2  }
0x37: {  	[tilespmem:s14], [sflag:$0x1] =	stream.indirect_vreg.gather [hbm4b:s1+s3], $0x80, v6, vm0, $0xb8;
	[tilespmem:$0xA100] =	vst v63  }
0x38: {  	_ = 	snop  }
0x39: {  	[tilespmem:s15], [sflag:$0x1] =	stream.indirect_vreg.gather [hbm4b:s1+s3], $0x80, v5, vm0, $0xb8;
	[tilespmem:$0xA100] =	vst v63  }
0x3a: {  	v5 =	vld [tilespmem:$0x30];
	_ =	sdelay $0x4  }
0x3b: {  	v6 =	vshll.u32 v5, $0x1  }
0x3c: {  	v5 =	vand.u32 $0x7, v5;
	v6 =	vand.u32 $0xFFFFFFF0, v6  }
0x3d: {  	v5 =	vor.u32 v5, v6  }
0x3e: {  	v6 =	vperm.xlane v5, v1;
	_ =	sdelay $0x1  }
0x3f: {  	v5 =	vperm.xlane v5, v3;
	v6 =	vadd.s32 v2, v6;
	_ =	sdelay $0x1  }
0x40: {  	v5 =	vadd.s32 v2, v5;
	_ =	sdelay $0x2  }
0x41: {  	[tilespmem:s16], [sflag:$0x1] =	stream.indirect_vreg.gather [hbm4b:s1+s3], $0x80, v6, vm0, $0xb8;
	[tilespmem:$0xA100] =	vst v63  }
0x42: {  	_ = 	snop  }
0x43: {  	[tilespmem:s17], [sflag:$0x1] =	stream.indirect_vreg.gather [hbm4b:s1+s3], $0x80, v5, vm0, $0xb8;
	[tilespmem:$0xA100] =	vst v63  }
0x44: {  	v5 =	vld [tilespmem:$0x40];
	_ =	sdelay $0x4  }
0x45: {  	v6 =	vshll.u32 v5, $0x1  }
0x46: {  	v5 =	vand.u32 $0x7, v5;
	v6 =	vand.u32 $0xFFFFFFF0, v6  }
0x47: {  	v5 =	vor.u32 v5, v6  }
0x48: {  	v6 =	vperm.xlane v5, v1;
	_ =	sdelay $0x1  }
0x49: {  	v5 =	vperm.xlane v5, v3;
	v6 =	vadd.s32 v2, v6;
	_ =	sdelay $0x1  }
0x4a: {  	v5 =	vadd.s32 v2, v5;
	_ =	sdelay $0x2  }
0x4b: {  	[tilespmem:s18], [sflag:$0x1] =	stream.indirect_vreg.gather [hbm4b:s1+s3], $0x80, v6, vm0, $0xb8;
	[tilespmem:$0xA100] =	vst v63  }
0x4c: {  	_ = 	snop  }
0x4d: {  	[tilespmem:s19], [sflag:$0x1] =	stream.indirect_vreg.gather [hbm4b:s1+s3], $0x80, v5, vm0, $0xb8;
	[tilespmem:$0xA100] =	vst v63  }
0x4e: {  	v5 =	vld [tilespmem:$0x50];
	_ =	sdelay $0x4  }
0x4f: {  	v6 =	vshll.u32 v5, $0x1  }
0x50: {  	v5 =	vand.u32 $0x7, v5;
	v6 =	vand.u32 $0xFFFFFFF0, v6  }
0x51: {  	v5 =	vor.u32 v5, v6  }
0x52: {  	v6 =	vperm.xlane v5, v1;
	_ =	sdelay $0x1  }
0x53: {  	v5 =	vperm.xlane v5, v3;
	v6 =	vadd.s32 v2, v6;
	_ =	sdelay $0x1  }
0x54: {  	v5 =	vadd.s32 v2, v5;
	_ =	sdelay $0x2  }
0x55: {  	[tilespmem:s20], [sflag:$0x1] =	stream.indirect_vreg.gather [hbm4b:s1+s3], $0x80, v6, vm0, $0xb8;
	[tilespmem:$0xA100] =	vst v63  }
0x56: {  	_ = 	snop  }
0x57: {  	[tilespmem:s21], [sflag:$0x1] =	stream.indirect_vreg.gather [hbm4b:s1+s3], $0x80, v5, vm0, $0xb8;
	[tilespmem:$0xA100] =	vst v63  }
0x58: {  	v5 =	vld [tilespmem:$0x60];
	_ =	sdelay $0x4  }
0x59: {  	v6 =	vshll.u32 v5, $0x1  }
0x5a: {  	v5 =	vand.u32 $0x7, v5;
	v6 =	vand.u32 $0xFFFFFFF0, v6  }
0x5b: {  	v5 =	vor.u32 v5, v6  }
0x5c: {  	v6 =	vperm.xlane v5, v1;
	_ =	sdelay $0x1  }
0x5d: {  	v5 =	vperm.xlane v5, v3;
	v6 =	vadd.s32 v2, v6;
	_ =	sdelay $0x1  }
0x5e: {  	v5 =	vadd.s32 v2, v5;
	_ =	sdelay $0x2  }
0x5f: {  	[tilespmem:s22], [sflag:$0x1] =	stream.indirect_vreg.gather [hbm4b:s1+s3], $0x80, v6, vm0, $0xb8;
	[tilespmem:$0xA100] =	vst v63  }
0x60: {  	_ = 	snop  }
0x61: {  	[tilespmem:s23], [sflag:$0x1] =	stream.indirect_vreg.gather [hbm4b:s1+s3], $0x80, v5, vm0, $0xb8;
	[tilespmem:$0xA100] =	vst v63  }
0x62: {  	v5 =	vld [tilespmem:$0x70];
	_ =	sdelay $0x4  }
0x63: {  	v6 =	vshll.u32 v5, $0x1  }
0x64: {  	v5 =	vand.u32 $0x7, v5;
	v6 =	vand.u32 $0xFFFFFFF0, v6  }
0x65: {  	v5 =	vor.u32 v5, v6  }
0x66: {  	v6 =	vperm.xlane v5, v1;
	_ =	sdelay $0x1  }
0x67: {  	v5 =	vperm.xlane v5, v3;
	v6 =	vadd.s32 v2, v6;
	_ =	sdelay $0x1  }
0x68: {  	v5 =	vadd.s32 v2, v5;
	_ =	sdelay $0x2  }
0x69: {  	[tilespmem:s24], [sflag:$0x1] =	stream.indirect_vreg.gather [hbm4b:s1+s3], $0x80, v6, vm0, $0xb8;
	[tilespmem:$0xA100] =	vst v63  }
0x6a: {  	_ = 	snop  }
0x6b: {  	[tilespmem:s25], [sflag:$0x1] =	stream.indirect_vreg.gather [hbm4b:s1+s3], $0x80, v5, vm0, $0xb8;
	[tilespmem:$0xA100] =	vst v63  }
0x6c: {  	_ =	swait.ge [sflag:s26], $0x8000  }
0x6d: {  	[sflag:s26] =	ssyncset.done $0x0  }
0x6e: {  	[sflag:s26] =	ssyncadd.s32 $0xFFFF8000  }
0x6f: {  	[hbm4b:s4+s3] =	stream.linear.scatter [tilespmem:s10], [sflag:$0x2], $0x8000, $0x38;
	[tilespmem:$0xA100] =	vst v63  }
0x70: {  	_ =	swait.ge [sflag:s9], $0x8000  }
0x71: {  	[sflag:s9] =	ssyncset.done $0x0  }
0x72: {  	[sflag:s9] =	ssyncadd.s32 $0xFFFF8000  }
0x73: {  	v5 =	vld [tilespmem:$0x0];
	_ =	sdelay $0x7  }
0x74: {  	[tilespmem:v5+s28+$0x0] =	vst.idx.add.f32.msk $0xffff, v4  }
0x75: {  	v5 =	vld [tilespmem:$0x10];
	_ =	sdelay $0x7  }
0x76: {  	[tilespmem:v5+s28+$0x0] =	vst.idx.add.f32.msk $0xffff, v4  }
0x77: {  	v5 =	vld [tilespmem:$0x20];
	_ =	sdelay $0x7  }
0x78: {  	[tilespmem:v5+s28+$0x0] =	vst.idx.add.f32.msk $0xffff, v4  }
0x79: {  	v5 =	vld [tilespmem:$0x30];
	_ =	sdelay $0x7  }
0x7a: {  	[tilespmem:v5+s28+$0x0] =	vst.idx.add.f32.msk $0xffff, v4  }
0x7b: {  	v5 =	vld [tilespmem:$0x40];
	_ =	sdelay $0x7  }
0x7c: {  	[tilespmem:v5+s28+$0x0] =	vst.idx.add.f32.msk $0xffff, v4  }
0x7d: {  	v5 =	vld [tilespmem:$0x50];
	_ =	sdelay $0x7  }
0x7e: {  	[tilespmem:v5+s28+$0x0] =	vst.idx.add.f32.msk $0xffff, v4  }
0x7f: {  	v5 =	vld [tilespmem:$0x60];
	_ =	sdelay $0x7  }
0x80: {  	[tilespmem:v5+s28+$0x0] =	vst.idx.add.f32.msk $0xffff, v4  }
0x81: {  	v5 =	vld [tilespmem:$0x70];
	_ =	sdelay $0x7  }
0x82: {  	[tilespmem:v5+s28+$0x0] =	vst.idx.add.f32.msk $0xffff, v4  }
0x83: {  	v5 =	vld [tilespmem:$0x80];
	_ =	sdelay $0x4  }
0x84: {  	v6 =	vshll.u32 v5, $0x1  }
0x85: {  	v5 =	vand.u32 $0x7, v5;
	v6 =	vand.u32 $0xFFFFFFF0, v6  }
0x86: {  	v5 =	vor.u32 v5, v6  }
0x87: {  	v6 =	vperm.xlane v5, v1;
	_ =	sdelay $0x1  }
0x88: {  	v5 =	vperm.xlane v5, v3;
	v6 =	vadd.s32 v2, v6;
	_ =	sdelay $0x1  }
0x89: {  	v5 =	vadd.s32 v2, v5;
	_ =	sdelay $0x2  }
0x8a: {  	[tilespmem:s10], [sflag:$0x1] =	stream.indirect_vreg.gather [hbm4b:s1+s3], $0x80, v6, vm0, $0xb8;
	[tilespmem:$0xA100] =	vst v63  }
0x8b: {  	_ = 	snop  }
0x8c: {  	[tilespmem:s11], [sflag:$0x1] =	stream.indirect_vreg.gather [hbm4b:s1+s3], $0x80, v5, vm0, $0xb8;
	[tilespmem:$0xA100] =	vst v63  }
0x8d: {  	v5 =	vld [tilespmem:$0x90];
	_ =	sdelay $0x4  }
0x8e: {  	v6 =	vshll.u32 v5, $0x1  }
0x8f: {  	v5 =	vand.u32 $0x7, v5;
	v6 =	vand.u32 $0xFFFFFFF0, v6  }
0x90: {  	v5 =	vor.u32 v5, v6  }
0x91: {  	v6 =	vperm.xlane v5, v1;
	_ =	sdelay $0x1  }
0x92: {  	v5 =	vperm.xlane v5, v3;
	v6 =	vadd.s32 v2, v6;
	_ =	sdelay $0x1  }
0x93: {  	v5 =	vadd.s32 v2, v5;
	_ =	sdelay $0x2  }
0x94: {  	[tilespmem:s12], [sflag:$0x1] =	stream.indirect_vreg.gather [hbm4b:s1+s3], $0x80, v6, vm0, $0xb8;
	[tilespmem:$0xA100] =	vst v63  }
0x95: {  	_ = 	snop  }
0x96: {  	[tilespmem:s13], [sflag:$0x1] =	stream.indirect_vreg.gather [hbm4b:s1+s3], $0x80, v5, vm0, $0xb8;
	[tilespmem:$0xA100] =	vst v63  }
0x97: {  	v5 =	vld [tilespmem:$0xA0];
	_ =	sdelay $0x4  }
0x98: {  	v6 =	vshll.u32 v5, $0x1  }
0x99: {  	v5 =	vand.u32 $0x7, v5;
	v6 =	vand.u32 $0xFFFFFFF0, v6  }
0x9a: {  	v5 =	vor.u32 v5, v6  }
0x9b: {  	v6 =	vperm.xlane v5, v1;
	_ =	sdelay $0x1  }
0x9c: {  	v5 =	vperm.xlane v5, v3;
	v6 =	vadd.s32 v2, v6;
	_ =	sdelay $0x1  }
0x9d: {  	v5 =	vadd.s32 v2, v5;
	_ =	sdelay $0x2  }
0x9e: {  	[tilespmem:s14], [sflag:$0x1] =	stream.indirect_vreg.gather [hbm4b:s1+s3], $0x80, v6, vm0, $0xb8;
	[tilespmem:$0xA100] =	vst v63  }
0x9f: {  	_ = 	snop  }
0xa0: {  	[tilespmem:s15], [sflag:$0x1] =	stream.indirect_vreg.gather [hbm4b:s1+s3], $0x80, v5, vm0, $0xb8;
	[tilespmem:$0xA100] =	vst v63  }
0xa1: {  	v5 =	vld [tilespmem:$0xB0];
	_ =	sdelay $0x4  }
0xa2: {  	v6 =	vshll.u32 v5, $0x1  }
0xa3: {  	v5 =	vand.u32 $0x7, v5;
	v6 =	vand.u32 $0xFFFFFFF0, v6  }
0xa4: {  	v5 =	vor.u32 v5, v6  }
0xa5: {  	v6 =	vperm.xlane v5, v1;
	_ =	sdelay $0x1  }
0xa6: {  	v5 =	vperm.xlane v5, v3;
	v6 =	vadd.s32 v2, v6;
	_ =	sdelay $0x1  }
0xa7: {  	v5 =	vadd.s32 v2, v5;
	_ =	sdelay $0x2  }
0xa8: {  	[tilespmem:s16], [sflag:$0x1] =	stream.indirect_vreg.gather [hbm4b:s1+s3], $0x80, v6, vm0, $0xb8;
	[tilespmem:$0xA100] =	vst v63  }
0xa9: {  	_ = 	snop  }
0xaa: {  	[tilespmem:s17], [sflag:$0x1] =	stream.indirect_vreg.gather [hbm4b:s1+s3], $0x80, v5, vm0, $0xb8;
	[tilespmem:$0xA100] =	vst v63  }
0xab: {  	v5 =	vld [tilespmem:$0xC0];
	_ =	sdelay $0x4  }
0xac: {  	v6 =	vshll.u32 v5, $0x1  }
0xad: {  	v5 =	vand.u32 $0x7, v5;
	v6 =	vand.u32 $0xFFFFFFF0, v6  }
0xae: {  	v5 =	vor.u32 v5, v6  }
0xaf: {  	v6 =	vperm.xlane v5, v1;
	_ =	sdelay $0x1  }
0xb0: {  	v5 =	vperm.xlane v5, v3;
	v6 =	vadd.s32 v2, v6;
	_ =	sdelay $0x1  }
0xb1: {  	v5 =	vadd.s32 v2, v5;
	_ =	sdelay $0x2  }
0xb2: {  	[tilespmem:s18], [sflag:$0x1] =	stream.indirect_vreg.gather [hbm4b:s1+s3], $0x80, v6, vm0, $0xb8;
	[tilespmem:$0xA100] =	vst v63  }
0xb3: {  	_ = 	snop  }
0xb4: {  	[tilespmem:s19], [sflag:$0x1] =	stream.indirect_vreg.gather [hbm4b:s1+s3], $0x80, v5, vm0, $0xb8;
	[tilespmem:$0xA100] =	vst v63  }
0xb5: {  	v5 =	vld [tilespmem:$0xD0];
	_ =	sdelay $0x4  }
0xb6: {  	v6 =	vshll.u32 v5, $0x1  }
0xb7: {  	v5 =	vand.u32 $0x7, v5;
	v6 =	vand.u32 $0xFFFFFFF0, v6  }
0xb8: {  	v5 =	vor.u32 v5, v6  }
0xb9: {  	v6 =	vperm.xlane v5, v1;
	_ =	sdelay $0x1  }
0xba: {  	v5 =	vperm.xlane v5, v3;
	v6 =	vadd.s32 v2, v6;
	_ =	sdelay $0x1  }
0xbb: {  	v5 =	vadd.s32 v2, v5;
	_ =	sdelay $0x2  }
0xbc: {  	[tilespmem:s20], [sflag:$0x1] =	stream.indirect_vreg.gather [hbm4b:s1+s3], $0x80, v6, vm0, $0xb8;
	[tilespmem:$0xA100] =	vst v63  }
0xbd: {  	_ = 	snop  }
0xbe: {  	[tilespmem:s21], [sflag:$0x1] =	stream.indirect_vreg.gather [hbm4b:s1+s3], $0x80, v5, vm0, $0xb8;
	[tilespmem:$0xA100] =	vst v63  }
0xbf: {  	v5 =	vld [tilespmem:$0xE0];
	_ =	sdelay $0x4  }
0xc0: {  	v6 =	vshll.u32 v5, $0x1  }
0xc1: {  	v5 =	vand.u32 $0x7, v5;
	v6 =	vand.u32 $0xFFFFFFF0, v6  }
0xc2: {  	v5 =	vor.u32 v5, v6  }
0xc3: {  	v6 =	vperm.xlane v5, v1;
	_ =	sdelay $0x1  }
0xc4: {  	v5 =	vperm.xlane v5, v3;
	v6 =	vadd.s32 v2, v6;
	_ =	sdelay $0x1  }
0xc5: {  	v5 =	vadd.s32 v2, v5;
	_ =	sdelay $0x2  }
0xc6: {  	[tilespmem:s22], [sflag:$0x1] =	stream.indirect_vreg.gather [hbm4b:s1+s3], $0x80, v6, vm0, $0xb8;
	[tilespmem:$0xA100] =	vst v63  }
0xc7: {  	_ = 	snop  }
0xc8: {  	[tilespmem:s23], [sflag:$0x1] =	stream.indirect_vreg.gather [hbm4b:s1+s3], $0x80, v5, vm0, $0xb8;
	[tilespmem:$0xA100] =	vst v63  }
0xc9: {  	v5 =	vld [tilespmem:$0xF0];
	_ =	sdelay $0x4  }
0xca: {  	v6 =	vshll.u32 v5, $0x1  }
0xcb: {  	v5 =	vand.u32 $0x7, v5;
	v6 =	vand.u32 $0xFFFFFFF0, v6  }
0xcc: {  	v5 =	vor.u32 v5, v6  }
0xcd: {  	v6 =	vperm.xlane v5, v1;
	_ =	sdelay $0x1  }
0xce: {  	v5 =	vperm.xlane v5, v3;
	v6 =	vadd.s32 v2, v6;
	_ =	sdelay $0x1  }
0xcf: {  	v5 =	vadd.s32 v2, v5;
	_ =	sdelay $0x2  }
0xd0: {  	[tilespmem:s24], [sflag:$0x1] =	stream.indirect_vreg.gather [hbm4b:s1+s3], $0x80, v6, vm0, $0xb8;
	[tilespmem:$0xA100] =	vst v63  }
0xd1: {  	_ = 	snop  }
0xd2: {  	[tilespmem:s25], [sflag:$0x1] =	stream.indirect_vreg.gather [hbm4b:s1+s3], $0x80, v5, vm0, $0xb8;
	[tilespmem:$0xA100] =	vst v63  }
0xd3: {  	_ =	swait.ge [sflag:s26], $0x8000  }
0xd4: {  	[sflag:s26] =	ssyncset.done $0x0  }
0xd5: {  	[sflag:s26] =	ssyncadd.s32 $0xFFFF8000  }
0xd6: {  	[hbm4b:s6+s3] =	stream.linear.scatter [tilespmem:s10], [sflag:$0x2], $0x8000, $0x38;
	[tilespmem:$0xA100] =	vst v63  }
0xd7: {  	_ =	swait.ge [sflag:s9], $0x8000  }
0xd8: {  	[sflag:s9] =	ssyncset.done $0x0  }
0xd9: {  	[sflag:s9] =	ssyncadd.s32 $0xFFFF8000  }
0xda: {  	v5 =	vld [tilespmem:$0x80];
	_ =	sdelay $0x7  }
0xdb: {  	[tilespmem:v5+s28+$0x0] =	vst.idx.add.f32.msk $0xffff, v4  }
0xdc: {  	v5 =	vld [tilespmem:$0x90];
	_ =	sdelay $0x7  }
0xdd: {  	[tilespmem:v5+s28+$0x0] =	vst.idx.add.f32.msk $0xffff, v4  }
0xde: {  	v5 =	vld [tilespmem:$0xA0];
	_ =	sdelay $0x7  }
0xdf: {  	[tilespmem:v5+s28+$0x0] =	vst.idx.add.f32.msk $0xffff, v4  }
0xe0: {  	v5 =	vld [tilespmem:$0xB0];
	_ =	sdelay $0x7  }
0xe1: {  	[tilespmem:v5+s28+$0x0] =	vst.idx.add.f32.msk $0xffff, v4  }
0xe2: {  	v5 =	vld [tilespmem:$0xC0];
	_ =	sdelay $0x7  }
0xe3: {  	[tilespmem:v5+s28+$0x0] =	vst.idx.add.f32.msk $0xffff, v4  }
0xe4: {  	v5 =	vld [tilespmem:$0xD0];
	_ =	sdelay $0x7  }
0xe5: {  	[tilespmem:v5+s28+$0x0] =	vst.idx.add.f32.msk $0xffff, v4  }
0xe6: {  	v5 =	vld [tilespmem:$0xE0];
	_ =	sdelay $0x7  }
0xe7: {  	[tilespmem:v5+s28+$0x0] =	vst.idx.add.f32.msk $0xffff, v4  }
0xe8: {  	v5 =	vld [tilespmem:$0xF0];
	_ =	sdelay $0x5  }
0xe9: {  	s31 =	sadd.s32 $0x1, s31  }
0xea: {  	p0 =	sne.s32 s31, s8  }
.Ltmp1:
0xeb: {  	[tilespmem:v5+s28+$0x0] =	vst.idx.add.f32.msk $0xffff, v4;
	(pc) =	sbr.rel @p0 .LBB2_1-.Ltmp1, $4  }
0xec: {  	[hbm4b:s7+s29] =	stream.strided.scatter [tilespmem:s28], [sflag:$0x2], $0x2000, s30, s29, $0x38;
	[tilespmem:$0xA100] =	vst v63  }
0xed: {  	_ =	swait.ge [sflag:s9], $0x2000  }
0xee: {  	[sflag:s9] =	ssyncset.done $0x0  }
0xef: {  	[sflag:s9] =	ssyncadd.s32 $0xFFFFE000  }
0xf0: {  	_ =	sfence.sel $0x180000  }
0xf1: {  	[bflag:$0x0] =	sbarrier.arrive $0xFFFF  }
0xf2: {  	_ =	strace $0x90000047  }
0xf3: {  	s0 =	stileid.u32;
	[bflag:$0x2] =	sbarrier.arrive $0xFFFF  }
0xf4: {  	p0 =	sne.s32 s0, $0x0;
	s0 =	rddreg [dreg:$0x3]  }
0xf5: {  	s0 =	sadd.s32 @!p0 $0x100000, s0  }
0xf6: {  	[sflag:s0] =	ssyncadd.tile.s32 @!p0 $0x1;
	_ =	shalt  }
.Lfunc_end2:
_tile_overlayer_lowered:
.L_overlay_start_2:
0xf7: {  	(tag) =	ssettag $0x2  }
0xf8: {  	s0 =	rddreg [dreg:$0x0];
	s2 =	stileid.u32  }
0xf9: {  	s1 =	rddreg [dreg:$0x1];
	p0 =	sne.s32 s2, $0x0  }
0xfa: {  	s3 =	rddreg [dreg:$0x2];
	[bflag:$0x3] =	sbarrier.arrive $0xFFFF;
	s2 =	simm.s32 @!p0 $0x1C02  }
0xfb: {  	[timem:s3], [sflag:s2] =	dma.local @!p0 [hbm:s0], s1  }
0xfc: {  	s0 =	simm.s32 @!p0 $0x2  }
0xfd: {  	_ =	swait.ge @!p0 [sflag:s0], s1  }
0xfe: {  	s1 =	ssub.s32 @!p0 $0x0, s1;
	[sflag:s0] =	ssyncset.done @!p0 $0x0  }
0xff: {  	[sflag:s0] =	ssyncadd.s32 @!p0 s1  }
0x100: {  	[bflag:$0x3] =	sbarrier.arrive $0xFFFF  }
0x101: {  	_ =	shalt  }

</sc_bundles>
